<compile_context>
chip_gen: v7x
topology: tpu7x:2x2x1
jax: 0.10.2.dev20260603
libtpu: 0.0.44.dev20260713+nightly
codegen_flags: <defaults>
</compile_context>

<pallas_src>
import functools

import jax
import jax.numpy as jnp
from jax import lax
from jax.experimental import pallas as pl
from jax.experimental.pallas import tpu as pltpu
from jax.experimental.pallas import tpu_sc as plsc

D = 512
S = 50
C = 64
NBUF = 3
BB = 4


def _sc_gather(table, idx):
    N = idx.shape[0]
    info = plsc.get_sparse_core_info()
    NC, NS = info.num_cores, info.num_subcores
    NW = NC * NS
    n_w = N // NW
    n_chunks = n_w // C
    mesh = plsc.VectorSubcoreMesh(core_axis_name="c", subcore_axis_name="s")

    @functools.partial(
        pl.kernel,
        mesh=mesh,
        out_type=jax.ShapeDtypeStruct((N, D), jnp.float32),
        scratch_types=[
            pltpu.VMEM((n_w,), jnp.int32),
            pltpu.VMEM((NBUF, C, D), jnp.float32),
            pltpu.SemaphoreType.DMA((NBUF,)),
            pltpu.SemaphoreType.DMA((NBUF,)),
        ],
    )
    def k(tab_hbm, idx_hbm, out_hbm, idx_all, rows_v, sem_g, sem_o):
        wid = lax.axis_index("s") * NC + lax.axis_index("c")
        wbase = wid * n_w
        pltpu.sync_copy(idx_hbm.at[pl.ds(wbase, n_w)], idx_all)

        def gather_copy(g, b):
            ibase = pl.multiple_of(g * C, C)
            return pltpu.make_async_copy(
                tab_hbm.at[idx_all.at[pl.ds(ibase, C)]],
                rows_v.at[b], sem_g.at[b])

        def out_copy(g, b):
            base = pl.multiple_of(wbase + g * C, C)
            return pltpu.make_async_copy(
                rows_v.at[b], out_hbm.at[pl.ds(base, C)], sem_o.at[b])

        def issue_in(g):
            gather_copy(g, lax.rem(g, NBUF)).start()

        for g0 in range(NBUF - 1):
            issue_in(g0)

        def body(g, carry):
            b = lax.rem(g, NBUF)
            gather_copy(g, b).wait()
            out_copy(g, b).start()

            g2 = g + NBUF - 1
            b2 = lax.rem(g2, NBUF)

            @pl.when(jnp.logical_and(g >= 1, g2 < n_chunks))
            def _():
                out_copy(g - 1, b2).wait()

            @pl.when(g2 < n_chunks)
            def _():
                issue_in(g2)

            return carry

        lax.fori_loop(0, n_chunks, body, 0)

        for gd in range(n_chunks - NBUF, n_chunks):
            out_copy(gd, gd % NBUF).wait()

    return k(table, idx)


def _tc_add_kernel(x_ref, emb_ref, o_ref):
    for kk in range(BB):
        o_ref[kk] = x_ref[kk] + emb_ref[pl.ds(S * kk, S), :]


def _tc_add(x, emb):
    B = x.shape[0]
    grid = (B // BB,)
    return pl.pallas_call(
        _tc_add_kernel,
        grid=grid,
        in_specs=[
            pl.BlockSpec((BB, S, D), lambda i: (i, 0, 0)),
            pl.BlockSpec((BB * S, D), lambda i: (i, 0)),
        ],
        out_specs=pl.BlockSpec((BB, S, D), lambda i: (i, 0, 0)),
        out_shape=jax.ShapeDtypeStruct((B, S, D), jnp.float32),
    )(x, emb)


def kernel(x, instruction_types, type_emb_weight):
    idx = instruction_types.reshape(-1).astype(jnp.int32)
    emb = _sc_gather(type_emb_weight, idx)
    return _tc_add(x, emb)

# --- scband reference (transcript-rebuilt; emitter-appended) ---
"""Pipeline reference for scband-instruction-type-embedding-76811195121843 (READ-ONLY COPY).

The authoritative reference and input builder live on the scoring server;
editing this copy changes nothing except your own understanding.
"""

import jax, jax.numpy as jnp
import numpy as np

d_model = 512
instruction_type_vocab_size = 1000

def setup_inputs(seed: int = 0) -> dict:
    key = jax.random.key(seed)
    k1, k2, k3 = jax.random.split(key, 3)
    x = jax.random.normal(k1, (4096, 50, d_model), dtype=jnp.float32)
    instruction_types = jax.random.randint(k2, (4096, 50), 0, instruction_type_vocab_size, dtype=jnp.int64)
    type_emb_weight = jax.random.normal(k3, (instruction_type_vocab_size, d_model), dtype=jnp.float32)
    return {"x": x, "instruction_types": instruction_types, "type_emb_weight": type_emb_weight}

def reference(x, instruction_types, type_emb_weight):
    type_embedding = jnp.take(type_emb_weight, instruction_types, axis=0)
    return x + type_embedding

if __name__ == "__main__":
    import jax
    _d = setup_inputs()
    print(jax.jit(kernel)(*tuple(_d.values())))

</pallas_src>

<mosaic_0001>
#map = affine_map<(d0, d1) -> (0, 0)>
#map1 = affine_map<(d0, d1) -> (0)>
module attributes {stable_mosaic.version = 14 : i64} {
  func.func @k(%arg0: i32, %arg1: i32, %arg2: memref<1000x512xf32, #tpu.memory_space<hbm>>, %arg3: memref<204800xi32, #tpu.memory_space<hbm>>, %arg4: memref<204800x512xf32, #tpu.memory_space<hbm>>, %arg5: memref<6400xi32, #tpu.memory_space<vmem>>, %arg6: memref<3x64x512xf32, #tpu.memory_space<vmem>>, %arg7: memref<3x!tpu.dma_semaphore, #tpu.memory_space<semaphore_mem>>, %arg8: memref<3x!tpu.dma_semaphore, #tpu.memory_space<semaphore_mem>>) attributes {dimension_semantics = [#tpu.dimension_semantics<core_parallel>, #tpu.dimension_semantics<subcore_parallel>], iteration_bounds = array<i64: 2, 16>, scalar_prefetch = 0 : i64, scratch_operands = 4 : i64, tpu.core_type = #tpu.core_type<sc_vector_subcore>, window_params = [{transform_indices = #map}, {transform_indices = #map1}, {transform_indices = #map}]} {
    %mul3A = arith.constant 2 : i32
    %mul3A_0 = arith.muli %arg1, %mul3A : i32
    %add3A = arith.addi %mul3A_0, %arg0 : i32
    %mul3A_1 = arith.constant 6400 : i32
    %mul3A_2 = arith.muli %add3A, %mul3A_1 : i32
    "tpu.region"() ({
      %run_scoped3A = tpu.sem_alloc : memref<!tpu.dma_semaphore, #tpu.memory_space<semaphore_mem>>
      %dma_start3A_91 = tpu.memref_slice %arg3[%mul3A_2] : memref<204800xi32, #tpu.memory_space<hbm>> -> memref<6400xi32, #tpu.memory_space<hbm>>
      %dma_start3A_92 = tpu.memref_slice %arg3[%mul3A_2] : memref<204800xi32, #tpu.memory_space<hbm>> -> memref<6400xi32, #tpu.memory_space<hbm>>
      tpu.enqueue_dma source(%dma_start3A_92 : memref<6400xi32, #tpu.memory_space<hbm>>) target(%arg5 : memref<6400xi32, #tpu.memory_space<vmem>>) target_semaphore(%run_scoped3A : memref<!tpu.dma_semaphore, #tpu.memory_space<semaphore_mem>>)
      %dma_wait3A_93 = tpu.memref_slice %arg3[%mul3A_2] : memref<204800xi32, #tpu.memory_space<hbm>> -> memref<6400xi32, #tpu.memory_space<hbm>>
      %dma_wait3A_94 = tpu.memref_slice %arg3[%mul3A_2] : memref<204800xi32, #tpu.memory_space<hbm>> -> memref<6400xi32, #tpu.memory_space<hbm>>
      tpu.wait_dma2 semaphore(%run_scoped3A : memref<!tpu.dma_semaphore, #tpu.memory_space<semaphore_mem>>) src(%dma_wait3A_94 : memref<6400xi32, #tpu.memory_space<hbm>>) dst(%arg5 : memref<6400xi32, #tpu.memory_space<vmem>>)
      tpu.yield
    }) : () -> ()
    %rem3A = arith.constant 0 : i32
    %rem3A_3 = arith.constant 3 : i32
    %rem3A_4 = arith.remsi %rem3A, %rem3A_3 : i32
    %multiple_of3A = arith.constant 0 : i32
    %multiple_of3A_5 = tpu.assume_multiple %multiple_of3A, 64 : i32
    %dma_start3A = arith.constant 0 : i32
    %dma_start3A_6 = arith.constant 0 : i32
    %dma_start3A_7 = tpu.memref_slice %arg6[%rem3A_4, %dma_start3A, %dma_start3A_6] : memref<3x64x512xf32, #tpu.memory_space<vmem>> -> memref<1x64x512xf32, #tpu.memory_space<vmem>>
    %dma_start3A_8 = tpu.memref_squeeze %dma_start3A_7 : memref<1x64x512xf32, #tpu.memory_space<vmem>> -> memref<64x512xf32, #tpu.memory_space<vmem>>
    %dma_start3A_9 = tpu.memref_slice %arg5[%multiple_of3A_5] : memref<6400xi32, #tpu.memory_space<vmem>> -> memref<64xi32, #tpu.memory_space<vmem>>
    %dma_start3A_10 = arith.constant 0 : i32
    %dma_start3A_11 = arith.constant 0 : i32
    %dma_start3A_12 = tpu.memref_slice %arg2[%dma_start3A_10, %dma_start3A_11] : memref<1000x512xf32, #tpu.memory_space<hbm>> -> memref<1000x512xf32, #tpu.memory_space<hbm>>
    %dma_start3A_13 = tpu.memref_slice %arg7[%rem3A_4] : memref<3x!tpu.dma_semaphore, #tpu.memory_space<semaphore_mem>> -> memref<1x!tpu.dma_semaphore, #tpu.memory_space<semaphore_mem>>
    %dma_start3A_14 = tpu.memref_squeeze %dma_start3A_13 : memref<1x!tpu.dma_semaphore, #tpu.memory_space<semaphore_mem>> -> memref<!tpu.dma_semaphore, #tpu.memory_space<semaphore_mem>>
    tpu.enqueue_indirect_dma source(%dma_start3A_12 : memref<1000x512xf32, #tpu.memory_space<hbm>>) target(%dma_start3A_8 : memref<64x512xf32, #tpu.memory_space<vmem>>) offsets(%dma_start3A_9 : memref<64xi32, #tpu.memory_space<vmem>>) semaphore(%dma_start3A_14 : memref<!tpu.dma_semaphore, #tpu.memory_space<semaphore_mem>>)
    %rem3A_15 = arith.constant 1 : i32
    %rem3A_16 = arith.constant 3 : i32
    %rem3A_17 = arith.remsi %rem3A_15, %rem3A_16 : i32
    %multiple_of3A_18 = arith.constant 64 : i32
    %multiple_of3A_19 = tpu.assume_multiple %multiple_of3A_18, 64 : i32
    %dma_start3A_20 = arith.constant 0 : i32
    %dma_start3A_21 = arith.constant 0 : i32
    %dma_start3A_22 = tpu.memref_slice %arg6[%rem3A_17, %dma_start3A_20, %dma_start3A_21] : memref<3x64x512xf32, #tpu.memory_space<vmem>> -> memref<1x64x512xf32, #tpu.memory_space<vmem>>
    %dma_start3A_23 = tpu.memref_squeeze %dma_start3A_22 : memref<1x64x512xf32, #tpu.memory_space<vmem>> -> memref<64x512xf32, #tpu.memory_space<vmem>>
    %dma_start3A_24 = tpu.memref_slice %arg5[%multiple_of3A_19] : memref<6400xi32, #tpu.memory_space<vmem>> -> memref<64xi32, #tpu.memory_space<vmem>>
    %dma_start3A_25 = arith.constant 0 : i32
    %dma_start3A_26 = arith.constant 0 : i32
    %dma_start3A_27 = tpu.memref_slice %arg2[%dma_start3A_25, %dma_start3A_26] : memref<1000x512xf32, #tpu.memory_space<hbm>> -> memref<1000x512xf32, #tpu.memory_space<hbm>>
    %dma_start3A_28 = tpu.memref_slice %arg7[%rem3A_17] : memref<3x!tpu.dma_semaphore, #tpu.memory_space<semaphore_mem>> -> memref<1x!tpu.dma_semaphore, #tpu.memory_space<semaphore_mem>>
    %dma_start3A_29 = tpu.memref_squeeze %dma_start3A_28 : memref<1x!tpu.dma_semaphore, #tpu.memory_space<semaphore_mem>> -> memref<!tpu.dma_semaphore, #tpu.memory_space<semaphore_mem>>
    tpu.enqueue_indirect_dma source(%dma_start3A_27 : memref<1000x512xf32, #tpu.memory_space<hbm>>) target(%dma_start3A_23 : memref<64x512xf32, #tpu.memory_space<vmem>>) offsets(%dma_start3A_24 : memref<64xi32, #tpu.memory_space<vmem>>) semaphore(%dma_start3A_29 : memref<!tpu.dma_semaphore, #tpu.memory_space<semaphore_mem>>)
    %scan3A = arith.constant 0 : i32
    %scan3A_30 = arith.constant 0 : i32
    %scan3A_31 = arith.constant 100 : i32
    %scan3A_32 = arith.addi %scan3A_30, %scan3A_31 : i32
    %scan3A_33 = arith.constant 1 : i32
    scf.for %scan3A_91 = %scan3A_30 to %scan3A_32 step %scan3A_33  : i32 {
      %rem3A_92 = arith.constant 3 : i32
      %rem3A_93 = arith.remsi %scan3A_91, %rem3A_92 : i32
      %mul3A_94 = arith.constant 64 : i32
      %mul3A_95 = arith.muli %scan3A_91, %mul3A_94 : i32
      %multiple_of3A_96 = tpu.assume_multiple %mul3A_95, 64 : i32
      %dma_wait3A_97 = arith.constant 0 : i32
      %dma_wait3A_98 = arith.constant 0 : i32
      %dma_wait3A_99 = tpu.memref_slice %arg6[%rem3A_93, %dma_wait3A_97, %dma_wait3A_98] : memref<3x64x512xf32, #tpu.memory_space<vmem>> -> memref<1x64x512xf32, #tpu.memory_space<vmem>>
      %dma_wait3A_100 = tpu.memref_squeeze %dma_wait3A_99 : memref<1x64x512xf32, #tpu.memory_space<vmem>> -> memref<64x512xf32, #tpu.memory_space<vmem>>
      %dma_wait3A_101 = tpu.memref_slice %arg5[%multiple_of3A_96] : memref<6400xi32, #tpu.memory_space<vmem>> -> memref<64xi32, #tpu.memory_space<vmem>>
      %dma_wait3A_102 = arith.constant 0 : i32
      %dma_wait3A_103 = arith.constant 0 : i32
      %dma_wait3A_104 = tpu.memref_slice %arg2[%dma_wait3A_102, %dma_wait3A_103] : memref<1000x512xf32, #tpu.memory_space<hbm>> -> memref<1000x512xf32, #tpu.memory_space<hbm>>
      %dma_wait3A_105 = tpu.memref_slice %arg7[%rem3A_93] : memref<3x!tpu.dma_semaphore, #tpu.memory_space<semaphore_mem>> -> memref<1x!tpu.dma_semaphore, #tpu.memory_space<semaphore_mem>>
      %dma_wait3A_106 = tpu.memref_squeeze %dma_wait3A_105 : memref<1x!tpu.dma_semaphore, #tpu.memory_space<semaphore_mem>> -> memref<!tpu.dma_semaphore, #tpu.memory_space<semaphore_mem>>
      tpu.wait_indirect_dma semaphore(%dma_wait3A_106 : memref<!tpu.dma_semaphore, #tpu.memory_space<semaphore_mem>>) src(%dma_wait3A_104 : memref<1000x512xf32, #tpu.memory_space<hbm>>) dst(%dma_wait3A_100 : memref<64x512xf32, #tpu.memory_space<vmem>>)
      %mul3A_107 = arith.constant 64 : i32
      %mul3A_108 = arith.muli %scan3A_91, %mul3A_107 : i32
      %add3A_109 = arith.addi %mul3A_2, %mul3A_108 : i32
      %multiple_of3A_110 = tpu.assume_multiple %add3A_109, 64 : i32
      %dma_start3A_111 = arith.constant 0 : i32
      %dma_start3A_112 = arith.constant 0 : i32
      %dma_start3A_113 = tpu.memref_slice %arg6[%rem3A_93, %dma_start3A_111, %dma_start3A_112] : memref<3x64x512xf32, #tpu.memory_space<vmem>> -> memref<1x64x512xf32, #tpu.memory_space<vmem>>
      %dma_start3A_114 = tpu.memref_squeeze %dma_start3A_113 : memref<1x64x512xf32, #tpu.memory_space<vmem>> -> memref<64x512xf32, #tpu.memory_space<vmem>>
      %dma_start3A_115 = arith.constant 0 : i32
      %dma_start3A_116 = tpu.memref_slice %arg4[%multiple_of3A_110, %dma_start3A_115] : memref<204800x512xf32, #tpu.memory_space<hbm>> -> memref<64x512xf32, #tpu.memory_space<hbm>>
      %dma_start3A_117 = tpu.memref_slice %arg8[%rem3A_93] : memref<3x!tpu.dma_semaphore, #tpu.memory_space<semaphore_mem>> -> memref<1x!tpu.dma_semaphore, #tpu.memory_space<semaphore_mem>>
      %dma_start3A_118 = tpu.memref_squeeze %dma_start3A_117 : memref<1x!tpu.dma_semaphore, #tpu.memory_space<semaphore_mem>> -> memref<!tpu.dma_semaphore, #tpu.memory_space<semaphore_mem>>
      %dma_start3A_119 = arith.constant 0 : i32
      %dma_start3A_120 = tpu.memref_slice %arg4[%multiple_of3A_110, %dma_start3A_119] : memref<204800x512xf32, #tpu.memory_space<hbm>> -> memref<64x512xf32, #tpu.memory_space<hbm>>
      %dma_start3A_121 = arith.constant 0 : i32
      %dma_start3A_122 = arith.constant 0 : i32
      %dma_start3A_123 = tpu.memref_slice %arg6[%rem3A_93, %dma_start3A_121, %dma_start3A_122] : memref<3x64x512xf32, #tpu.memory_space<vmem>> -> memref<1x64x512xf32, #tpu.memory_space<vmem>>
      %dma_start3A_124 = tpu.memref_squeeze %dma_start3A_123 : memref<1x64x512xf32, #tpu.memory_space<vmem>> -> memref<64x512xf32, #tpu.memory_space<vmem>>
      tpu.enqueue_dma source(%dma_start3A_124 : memref<64x512xf32, #tpu.memory_space<vmem>>) target(%dma_start3A_120 : memref<64x512xf32, #tpu.memory_space<hbm>>) target_semaphore(%dma_start3A_118 : memref<!tpu.dma_semaphore, #tpu.memory_space<semaphore_mem>>)
      %add3A_125 = arith.constant 3 : i32
      %add3A_126 = arith.addi %scan3A_91, %add3A_125 : i32
      %sub3A = arith.constant 1 : i32
      %sub3A_127 = arith.subi %add3A_126, %sub3A : i32
      %rem3A_128 = arith.constant 3 : i32
      %rem3A_129 = arith.remsi %sub3A_127, %rem3A_128 : i32
      %ge3A = arith.constant 1 : i32
      %ge3A_130 = arith.cmpi sge, %scan3A_91, %ge3A : i32
      %lt3A = arith.constant 100 : i32
      %lt3A_131 = arith.cmpi slt, %sub3A_127, %lt3A : i32
      %and3A = arith.andi %ge3A_130, %lt3A_131 : i1
      %convert_element_type3A = arith.extui %and3A : i1 to i32
      %cond3A = arith.constant 0 : i32
      %cond3A_132 = arith.cmpi ne, %convert_element_type3A, %cond3A : i32
      scf.if %cond3A_132 {
        %sub3A_138 = arith.constant 1 : i32
        %sub3A_139 = arith.subi %scan3A_91, %sub3A_138 : i32
        %mul3A_140 = arith.constant 64 : i32
        %mul3A_141 = arith.muli %sub3A_139, %mul3A_140 : i32
        %add3A_142 = arith.addi %mul3A_2, %mul3A_141 : i32
        %multiple_of3A_143 = tpu.assume_multiple %add3A_142, 64 : i32
        %dma_wait3A_144 = arith.constant 0 : i32
        %dma_wait3A_145 = arith.constant 0 : i32
        %dma_wait3A_146 = tpu.memref_slice %arg6[%rem3A_129, %dma_wait3A_144, %dma_wait3A_145] : memref<3x64x512xf32, #tpu.memory_space<vmem>> -> memref<1x64x512xf32, #tpu.memory_space<vmem>>
        %dma_wait3A_147 = tpu.memref_squeeze %dma_wait3A_146 : memref<1x64x512xf32, #tpu.memory_space<vmem>> -> memref<64x512xf32, #tpu.memory_space<vmem>>
        %dma_wait3A_148 = arith.constant 0 : i32
        %dma_wait3A_149 = tpu.memref_slice %arg4[%multiple_of3A_143, %dma_wait3A_148] : memref<204800x512xf32, #tpu.memory_space<hbm>> -> memref<64x512xf32, #tpu.memory_space<hbm>>
        %dma_wait3A_150 = tpu.memref_slice %arg8[%rem3A_129] : memref<3x!tpu.dma_semaphore, #tpu.memory_space<semaphore_mem>> -> memref<1x!tpu.dma_semaphore, #tpu.memory_space<semaphore_mem>>
        %dma_wait3A_151 = tpu.memref_squeeze %dma_wait3A_150 : memref<1x!tpu.dma_semaphore, #tpu.memory_space<semaphore_mem>> -> memref<!tpu.dma_semaphore, #tpu.memory_space<semaphore_mem>>
        %dma_wait3A_152 = arith.constant 0 : i32
        %dma_wait3A_153 = tpu.memref_slice %arg4[%multiple_of3A_143, %dma_wait3A_152] : memref<204800x512xf32, #tpu.memory_space<hbm>> -> memref<64x512xf32, #tpu.memory_space<hbm>>
        %dma_wait3A_154 = arith.constant 0 : i32
        %dma_wait3A_155 = arith.constant 0 : i32
        %dma_wait3A_156 = tpu.memref_slice %arg6[%rem3A_129, %dma_wait3A_154, %dma_wait3A_155] : memref<3x64x512xf32, #tpu.memory_space<vmem>> -> memref<1x64x512xf32, #tpu.memory_space<vmem>>
        %dma_wait3A_157 = tpu.memref_squeeze %dma_wait3A_156 : memref<1x64x512xf32, #tpu.memory_space<vmem>> -> memref<64x512xf32, #tpu.memory_space<vmem>>
        tpu.wait_dma2 semaphore(%dma_wait3A_151 : memref<!tpu.dma_semaphore, #tpu.memory_space<semaphore_mem>>) src(%dma_wait3A_157 : memref<64x512xf32, #tpu.memory_space<vmem>>) dst(%dma_wait3A_153 : memref<64x512xf32, #tpu.memory_space<hbm>>)
      } else {
      }
      %lt3A_133 = arith.constant 100 : i32
      %lt3A_134 = arith.cmpi slt, %sub3A_127, %lt3A_133 : i32
      %convert_element_type3A_135 = arith.extui %lt3A_134 : i1 to i32
      %cond3A_136 = arith.constant 0 : i32
      %cond3A_137 = arith.cmpi ne, %convert_element_type3A_135, %cond3A_136 : i32
      scf.if %cond3A_137 {
        %rem3A_138 = arith.constant 3 : i32
        %rem3A_139 = arith.remsi %sub3A_127, %rem3A_138 : i32
        %mul3A_140 = arith.constant 64 : i32
        %mul3A_141 = arith.muli %sub3A_127, %mul3A_140 : i32
        %multiple_of3A_142 = tpu.assume_multiple %mul3A_141, 64 : i32
        %dma_start3A_143 = arith.constant 0 : i32
        %dma_start3A_144 = arith.constant 0 : i32
        %dma_start3A_145 = tpu.memref_slice %arg6[%rem3A_139, %dma_start3A_143, %dma_start3A_144] : memref<3x64x512xf32, #tpu.memory_space<vmem>> -> memref<1x64x512xf32, #tpu.memory_space<vmem>>
        %dma_start3A_146 = tpu.memref_squeeze %dma_start3A_145 : memref<1x64x512xf32, #tpu.memory_space<vmem>> -> memref<64x512xf32, #tpu.memory_space<vmem>>
        %dma_start3A_147 = tpu.memref_slice %arg5[%multiple_of3A_142] : memref<6400xi32, #tpu.memory_space<vmem>> -> memref<64xi32, #tpu.memory_space<vmem>>
        %dma_start3A_148 = arith.constant 0 : i32
        %dma_start3A_149 = arith.constant 0 : i32
        %dma_start3A_150 = tpu.memref_slice %arg2[%dma_start3A_148, %dma_start3A_149] : memref<1000x512xf32, #tpu.memory_space<hbm>> -> memref<1000x512xf32, #tpu.memory_space<hbm>>
        %dma_start3A_151 = tpu.memref_slice %arg7[%rem3A_139] : memref<3x!tpu.dma_semaphore, #tpu.memory_space<semaphore_mem>> -> memref<1x!tpu.dma_semaphore, #tpu.memory_space<semaphore_mem>>
        %dma_start3A_152 = tpu.memref_squeeze %dma_start3A_151 : memref<1x!tpu.dma_semaphore, #tpu.memory_space<semaphore_mem>> -> memref<!tpu.dma_semaphore, #tpu.memory_space<semaphore_mem>>
        tpu.enqueue_indirect_dma source(%dma_start3A_150 : memref<1000x512xf32, #tpu.memory_space<hbm>>) target(%dma_start3A_146 : memref<64x512xf32, #tpu.memory_space<vmem>>) offsets(%dma_start3A_147 : memref<64xi32, #tpu.memory_space<vmem>>) semaphore(%dma_start3A_152 : memref<!tpu.dma_semaphore, #tpu.memory_space<semaphore_mem>>)
      } else {
      }
    }
    %scan3A_34 = arith.constant 100 : i32
    %add3A_35 = arith.constant 6208 : i32
    %add3A_36 = arith.addi %mul3A_2, %add3A_35 : i32
    %multiple_of3A_37 = tpu.assume_multiple %add3A_36, 64 : i32
    %dma_wait3A = arith.constant 1 : i32
    %dma_wait3A_38 = arith.constant 1 : i32
    %dma_wait3A_39 = arith.constant 0 : i32
    %dma_wait3A_40 = arith.constant 0 : i32
    %dma_wait3A_41 = tpu.memref_slice %arg6[%dma_wait3A, %dma_wait3A_39, %dma_wait3A_40] : memref<3x64x512xf32, #tpu.memory_space<vmem>> -> memref<1x64x512xf32, #tpu.memory_space<vmem>>
    %dma_wait3A_42 = tpu.memref_squeeze %dma_wait3A_41 : memref<1x64x512xf32, #tpu.memory_space<vmem>> -> memref<64x512xf32, #tpu.memory_space<vmem>>
    %dma_wait3A_43 = arith.constant 0 : i32
    %dma_wait3A_44 = tpu.memref_slice %arg4[%multiple_of3A_37, %dma_wait3A_43] : memref<204800x512xf32, #tpu.memory_space<hbm>> -> memref<64x512xf32, #tpu.memory_space<hbm>>
    %dma_wait3A_45 = tpu.memref_slice %arg8[%dma_wait3A_38] : memref<3x!tpu.dma_semaphore, #tpu.memory_space<semaphore_mem>> -> memref<1x!tpu.dma_semaphore, #tpu.memory_space<semaphore_mem>>
    %dma_wait3A_46 = tpu.memref_squeeze %dma_wait3A_45 : memref<1x!tpu.dma_semaphore, #tpu.memory_space<semaphore_mem>> -> memref<!tpu.dma_semaphore, #tpu.memory_space<semaphore_mem>>
    %dma_wait3A_47 = arith.constant 0 : i32
    %dma_wait3A_48 = tpu.memref_slice %arg4[%multiple_of3A_37, %dma_wait3A_47] : memref<204800x512xf32, #tpu.memory_space<hbm>> -> memref<64x512xf32, #tpu.memory_space<hbm>>
    %dma_wait3A_49 = arith.constant 0 : i32
    %dma_wait3A_50 = arith.constant 0 : i32
    %dma_wait3A_51 = tpu.memref_slice %arg6[%dma_wait3A, %dma_wait3A_49, %dma_wait3A_50] : memref<3x64x512xf32, #tpu.memory_space<vmem>> -> memref<1x64x512xf32, #tpu.memory_space<vmem>>
    %dma_wait3A_52 = tpu.memref_squeeze %dma_wait3A_51 : memref<1x64x512xf32, #tpu.memory_space<vmem>> -> memref<64x512xf32, #tpu.memory_space<vmem>>
    tpu.wait_dma2 semaphore(%dma_wait3A_46 : memref<!tpu.dma_semaphore, #tpu.memory_space<semaphore_mem>>) src(%dma_wait3A_52 : memref<64x512xf32, #tpu.memory_space<vmem>>) dst(%dma_wait3A_48 : memref<64x512xf32, #tpu.memory_space<hbm>>)
    %add3A_53 = arith.constant 6272 : i32
    %add3A_54 = arith.addi %mul3A_2, %add3A_53 : i32
    %multiple_of3A_55 = tpu.assume_multiple %add3A_54, 64 : i32
    %dma_wait3A_56 = arith.constant 2 : i32
    %dma_wait3A_57 = arith.constant 2 : i32
    %dma_wait3A_58 = arith.constant 0 : i32
    %dma_wait3A_59 = arith.constant 0 : i32
    %dma_wait3A_60 = tpu.memref_slice %arg6[%dma_wait3A_56, %dma_wait3A_58, %dma_wait3A_59] : memref<3x64x512xf32, #tpu.memory_space<vmem>> -> memref<1x64x512xf32, #tpu.memory_space<vmem>>
    %dma_wait3A_61 = tpu.memref_squeeze %dma_wait3A_60 : memref<1x64x512xf32, #tpu.memory_space<vmem>> -> memref<64x512xf32, #tpu.memory_space<vmem>>
    %dma_wait3A_62 = arith.constant 0 : i32
    %dma_wait3A_63 = tpu.memref_slice %arg4[%multiple_of3A_55, %dma_wait3A_62] : memref<204800x512xf32, #tpu.memory_space<hbm>> -> memref<64x512xf32, #tpu.memory_space<hbm>>
    %dma_wait3A_64 = tpu.memref_slice %arg8[%dma_wait3A_57] : memref<3x!tpu.dma_semaphore, #tpu.memory_space<semaphore_mem>> -> memref<1x!tpu.dma_semaphore, #tpu.memory_space<semaphore_mem>>
    %dma_wait3A_65 = tpu.memref_squeeze %dma_wait3A_64 : memref<1x!tpu.dma_semaphore, #tpu.memory_space<semaphore_mem>> -> memref<!tpu.dma_semaphore, #tpu.memory_space<semaphore_mem>>
    %dma_wait3A_66 = arith.constant 0 : i32
    %dma_wait3A_67 = tpu.memref_slice %arg4[%multiple_of3A_55, %dma_wait3A_66] : memref<204800x512xf32, #tpu.memory_space<hbm>> -> memref<64x512xf32, #tpu.memory_space<hbm>>
    %dma_wait3A_68 = arith.constant 0 : i32
    %dma_wait3A_69 = arith.constant 0 : i32
    %dma_wait3A_70 = tpu.memref_slice %arg6[%dma_wait3A_56, %dma_wait3A_68, %dma_wait3A_69] : memref<3x64x512xf32, #tpu.memory_space<vmem>> -> memref<1x64x512xf32, #tpu.memory_space<vmem>>
    %dma_wait3A_71 = tpu.memref_squeeze %dma_wait3A_70 : memref<1x64x512xf32, #tpu.memory_space<vmem>> -> memref<64x512xf32, #tpu.memory_space<vmem>>
    tpu.wait_dma2 semaphore(%dma_wait3A_65 : memref<!tpu.dma_semaphore, #tpu.memory_space<semaphore_mem>>) src(%dma_wait3A_71 : memref<64x512xf32, #tpu.memory_space<vmem>>) dst(%dma_wait3A_67 : memref<64x512xf32, #tpu.memory_space<hbm>>)
    %add3A_72 = arith.constant 6336 : i32
    %add3A_73 = arith.addi %mul3A_2, %add3A_72 : i32
    %multiple_of3A_74 = tpu.assume_multiple %add3A_73, 64 : i32
    %dma_wait3A_75 = arith.constant 0 : i32
    %dma_wait3A_76 = arith.constant 0 : i32
    %dma_wait3A_77 = arith.constant 0 : i32
    %dma_wait3A_78 = arith.constant 0 : i32
    %dma_wait3A_79 = tpu.memref_slice %arg6[%dma_wait3A_75, %dma_wait3A_77, %dma_wait3A_78] : memref<3x64x512xf32, #tpu.memory_space<vmem>> -> memref<1x64x512xf32, #tpu.memory_space<vmem>>
    %dma_wait3A_80 = tpu.memref_squeeze %dma_wait3A_79 : memref<1x64x512xf32, #tpu.memory_space<vmem>> -> memref<64x512xf32, #tpu.memory_space<vmem>>
    %dma_wait3A_81 = arith.constant 0 : i32
    %dma_wait3A_82 = tpu.memref_slice %arg4[%multiple_of3A_74, %dma_wait3A_81] : memref<204800x512xf32, #tpu.memory_space<hbm>> -> memref<64x512xf32, #tpu.memory_space<hbm>>
    %dma_wait3A_83 = tpu.memref_slice %arg8[%dma_wait3A_76] : memref<3x!tpu.dma_semaphore, #tpu.memory_space<semaphore_mem>> -> memref<1x!tpu.dma_semaphore, #tpu.memory_space<semaphore_mem>>
    %dma_wait3A_84 = tpu.memref_squeeze %dma_wait3A_83 : memref<1x!tpu.dma_semaphore, #tpu.memory_space<semaphore_mem>> -> memref<!tpu.dma_semaphore, #tpu.memory_space<semaphore_mem>>
    %dma_wait3A_85 = arith.constant 0 : i32
    %dma_wait3A_86 = tpu.memref_slice %arg4[%multiple_of3A_74, %dma_wait3A_85] : memref<204800x512xf32, #tpu.memory_space<hbm>> -> memref<64x512xf32, #tpu.memory_space<hbm>>
    %dma_wait3A_87 = arith.constant 0 : i32
    %dma_wait3A_88 = arith.constant 0 : i32
    %dma_wait3A_89 = tpu.memref_slice %arg6[%dma_wait3A_75, %dma_wait3A_87, %dma_wait3A_88] : memref<3x64x512xf32, #tpu.memory_space<vmem>> -> memref<1x64x512xf32, #tpu.memory_space<vmem>>
    %dma_wait3A_90 = tpu.memref_squeeze %dma_wait3A_89 : memref<1x64x512xf32, #tpu.memory_space<vmem>> -> memref<64x512xf32, #tpu.memory_space<vmem>>
    tpu.wait_dma2 semaphore(%dma_wait3A_84 : memref<!tpu.dma_semaphore, #tpu.memory_space<semaphore_mem>>) src(%dma_wait3A_90 : memref<64x512xf32, #tpu.memory_space<vmem>>) dst(%dma_wait3A_86 : memref<64x512xf32, #tpu.memory_space<hbm>>)
    return
  }
}

module attributes {stable_mosaic.version = 14 : i64} {
  func.func @_tc_add_kernel(%arg0: i32, %arg1: memref<4x50x512xf32, #tpu.memory_space<vmem>>, %arg2: memref<200x512xf32, #tpu.memory_space<vmem>>, %arg3: memref<4x50x512xf32, #tpu.memory_space<vmem>>) attributes {dimension_semantics = [#tpu.dimension_semantics<arbitrary>], iteration_bounds = array<i64: 1024>, scalar_prefetch = 0 : i64, scratch_operands = 0 : i64, tpu.core_type = #tpu.core_type<tc>, window_params = [{transform_indices = @transform_0, window_bounds = array<i64: 4, 50, 512>}, {transform_indices = @transform_1, window_bounds = array<i64: 200, 512>}, {transform_indices = @transform_2, window_bounds = array<i64: 4, 50, 512>}]} {
    %get3A = arith.constant 0 : index
    %get3A_0 = arith.constant 0 : index
    %get3A_1 = arith.constant 0 : index
    %get3A_2 = vector.load %arg1[%get3A, %get3A_0, %get3A_1] : memref<4x50x512xf32, #tpu.memory_space<vmem>>, vector<1x50x512xf32>
    %get3A_3 = vector.shape_cast %get3A_2 : vector<1x50x512xf32> to vector<50x512xf32>
    %get3A_4 = arith.constant 0 : index
    %get3A_5 = arith.constant 0 : index
    %get3A_6 = vector.load %arg2[%get3A_4, %get3A_5] : memref<200x512xf32, #tpu.memory_space<vmem>>, vector<50x512xf32>
    %add3A = arith.addf %get3A_3, %get3A_6 : vector<50x512xf32>
    %swap3A = arith.constant 0 : index
    %swap3A_7 = arith.constant 0 : index
    %swap3A_8 = arith.constant 0 : index
    %swap3A_9 = vector.load %arg3[%swap3A, %swap3A_7, %swap3A_8] : memref<4x50x512xf32, #tpu.memory_space<vmem>>, vector<1x50x512xf32>
    %swap3A_10 = vector.shape_cast %swap3A_9 : vector<1x50x512xf32> to vector<50x512xf32>
    %swap3A_11 = vector.shape_cast %add3A : vector<50x512xf32> to vector<1x50x512xf32>
    tpu.vector_store %arg3[%swap3A, %swap3A_7, %swap3A_8], %swap3A_11 {strides = array<i32>} : memref<4x50x512xf32, #tpu.memory_space<vmem>>, vector<1x50x512xf32>,
    %get3A_12 = arith.constant 1 : index
    %get3A_13 = arith.constant 0 : index
    %get3A_14 = arith.constant 0 : index
    %get3A_15 = vector.load %arg1[%get3A_12, %get3A_13, %get3A_14] : memref<4x50x512xf32, #tpu.memory_space<vmem>>, vector<1x50x512xf32>
    %get3A_16 = vector.shape_cast %get3A_15 : vector<1x50x512xf32> to vector<50x512xf32>
    %get3A_17 = arith.constant 50 : index
    %get3A_18 = arith.constant 0 : index
    %get3A_19 = vector.load %arg2[%get3A_17, %get3A_18] : memref<200x512xf32, #tpu.memory_space<vmem>>, vector<50x512xf32>
    %add3A_20 = arith.addf %get3A_16, %get3A_19 : vector<50x512xf32>
    %swap3A_21 = arith.constant 1 : index
    %swap3A_22 = arith.constant 0 : index
    %swap3A_23 = arith.constant 0 : index
    %swap3A_24 = vector.load %arg3[%swap3A_21, %swap3A_22, %swap3A_23] : memref<4x50x512xf32, #tpu.memory_space<vmem>>, vector<1x50x512xf32>
    %swap3A_25 = vector.shape_cast %swap3A_24 : vector<1x50x512xf32> to vector<50x512xf32>
    %swap3A_26 = vector.shape_cast %add3A_20 : vector<50x512xf32> to vector<1x50x512xf32>
    tpu.vector_store %arg3[%swap3A_21, %swap3A_22, %swap3A_23], %swap3A_26 {strides = array<i32>} : memref<4x50x512xf32, #tpu.memory_space<vmem>>, vector<1x50x512xf32>,
    %get3A_27 = arith.constant 2 : index
    %get3A_28 = arith.constant 0 : index
    %get3A_29 = arith.constant 0 : index
    %get3A_30 = vector.load %arg1[%get3A_27, %get3A_28, %get3A_29] : memref<4x50x512xf32, #tpu.memory_space<vmem>>, vector<1x50x512xf32>
    %get3A_31 = vector.shape_cast %get3A_30 : vector<1x50x512xf32> to vector<50x512xf32>
    %get3A_32 = arith.constant 100 : index
    %get3A_33 = arith.constant 0 : index
    %get3A_34 = vector.load %arg2[%get3A_32, %get3A_33] : memref<200x512xf32, #tpu.memory_space<vmem>>, vector<50x512xf32>
    %add3A_35 = arith.addf %get3A_31, %get3A_34 : vector<50x512xf32>
    %swap3A_36 = arith.constant 2 : index
    %swap3A_37 = arith.constant 0 : index
    %swap3A_38 = arith.constant 0 : index
    %swap3A_39 = vector.load %arg3[%swap3A_36, %swap3A_37, %swap3A_38] : memref<4x50x512xf32, #tpu.memory_space<vmem>>, vector<1x50x512xf32>
    %swap3A_40 = vector.shape_cast %swap3A_39 : vector<1x50x512xf32> to vector<50x512xf32>
    %swap3A_41 = vector.shape_cast %add3A_35 : vector<50x512xf32> to vector<1x50x512xf32>
    tpu.vector_store %arg3[%swap3A_36, %swap3A_37, %swap3A_38], %swap3A_41 {strides = array<i32>} : memref<4x50x512xf32, #tpu.memory_space<vmem>>, vector<1x50x512xf32>,
    %get3A_42 = arith.constant 3 : index
    %get3A_43 = arith.constant 0 : index
    %get3A_44 = arith.constant 0 : index
    %get3A_45 = vector.load %arg1[%get3A_42, %get3A_43, %get3A_44] : memref<4x50x512xf32, #tpu.memory_space<vmem>>, vector<1x50x512xf32>
    %get3A_46 = vector.shape_cast %get3A_45 : vector<1x50x512xf32> to vector<50x512xf32>
    %get3A_47 = arith.constant 150 : index
    %get3A_48 = arith.constant 0 : index
    %get3A_49 = vector.load %arg2[%get3A_47, %get3A_48] : memref<200x512xf32, #tpu.memory_space<vmem>>, vector<50x512xf32>
    %add3A_50 = arith.addf %get3A_46, %get3A_49 : vector<50x512xf32>
    %swap3A_51 = arith.constant 3 : index
    %swap3A_52 = arith.constant 0 : index
    %swap3A_53 = arith.constant 0 : index
    %swap3A_54 = vector.load %arg3[%swap3A_51, %swap3A_52, %swap3A_53] : memref<4x50x512xf32, #tpu.memory_space<vmem>>, vector<1x50x512xf32>
    %swap3A_55 = vector.shape_cast %swap3A_54 : vector<1x50x512xf32> to vector<50x512xf32>
    %swap3A_56 = vector.shape_cast %add3A_50 : vector<50x512xf32> to vector<1x50x512xf32>
    tpu.vector_store %arg3[%swap3A_51, %swap3A_52, %swap3A_53], %swap3A_56 {strides = array<i32>} : memref<4x50x512xf32, #tpu.memory_space<vmem>>, vector<1x50x512xf32>,
    return
  }
  func.func @transform_0(%arg0: i32) -> (i32, i32, i32) {
    %c0_i32 = arith.constant 0 : i32
    %c0_i32_0 = arith.constant 0 : i32
    %c0_i32_1 = arith.constant 0 : i32
    return %arg0, %c0_i32, %c0_i32_0 : i32, i32, i32
  }
  func.func @transform_1(%arg0: i32) -> (i32, i32) {
    %c0_i32 = arith.constant 0 : i32
    %c0_i32_0 = arith.constant 0 : i32
    return %arg0, %c0_i32 : i32, i32
  }
  func.func @transform_2(%arg0: i32) -> (i32, i32, i32) {
    %c0_i32 = arith.constant 0 : i32
    %c0_i32_0 = arith.constant 0 : i32
    %c0_i32_1 = arith.constant 0 : i32
    return %arg0, %c0_i32, %c0_i32_0 : i32, i32, i32
  }
}

</mosaic_0001>

<sc_bundles>
// kernel: kernel.4.cloned.1.call-start
scs
__scs_entry_jumppad:
0x0: {  	(pc) =	sbr.rel $0x88, $3  }
0x1: {  	(tag) =	ssettag $0x0;
	lr =	simm.s32 $0x1  }
0x2: {  	[smem:$0x3F9E] =	sst lr;
	_ =	strace $0xD0000000  }
0x3: {  	_ = 	snop  }
0x4: {  	_ = 	snop  }
0x5: {  	_ = 	snop  }
0x6: {  	_ = 	snop  }
0x7: {  	_ = 	snop  }
__scs_overlays_trampoline_lowered:
0x8: {  	[smem:$0x3FAD] =	sst s0  }
0x9: {  	[smem:$0x3FAE] =	sst s1  }
0xa: {  	[smem:$0x3FAF] =	sst s2  }
0xb: {  	[smem:$0x3FB0] =	sst s3  }
0xc: {  	[smem:$0x3FB1] =	sst s4  }
0xd: {  	[smem:$0x3FB2] =	sst s5  }
0xe: {  	[smem:$0x3FB3] =	sst s6  }
0xf: {  	[smem:$0x3FB4] =	sst s7  }
0x10: {  	[smem:$0x3FB5] =	sst s8  }
0x11: {  	[smem:$0x3FB6] =	sst s9;
	s0 =	simm.s32 @!p0 $0x0  }
0x12: {  	s1 =	sld [smem:$0x3F9C];
	s0 =	simm.s32 @p0 $0x1  }
0x13: {  	[smem:$0x3FB7] =	sst s0;
	s0 =	simm.s32 @!p1 $0x0  }
0x14: {  	s2 =	sld [smem:$0x3F9B];
	s0 =	simm.s32 @p1 $0x1  }
0x15: {  	[smem:$0x3FB8] =	sst s0;
	s0 =	simm.s32 @!p2 $0x0  }
0x16: {  	s3 =	sld [smem:$0x3FDB];
	s0 =	simm.s32 @p2 $0x1  }
0x17: {  	s4 =	simm.s32 $0x1BF5;
	[smem:$0x3FBA] =	sst s0  }
0x18: {  	s0 =	sld [smem:$0x3F9D];
	_ =	swait.ge [sflag:s4], $0x0  }
0x19: {  	s7 =	sld [smem:$0x3F9E]  }
0x1a: {  	s8 =	sadd.s32 $0xFFFFE003, lr  }
0x1b: {  	s9 =	sadd.s32 $0xFFFFFEF7, lr;
	s5 =	simm.s32 $0xFFFFFFFF;
	p2 =	slt.u32 s8, $0xFFFFF086  }
0x1c: {  	p1 =	slt.u32 s9, $0xF7A;
	s5 =	simm.s32 @!p2 $0x0  }
0x1d: {  	s5 =	simm.s32 @p1 $0x1;
	p0 =	seq.s32 s7, s2  }
0x1e: {  	s7 =	smul.u32 @!p0 $0xF7A, s2;
	p2 =	seq.s32 @!p0 s5, $0x0  }
0x1f: {  	s9 =	smul.u32 $0xF7A, s1;
	s8 =	simm.s32 @!p0 $0x1BF5;
	p2 =	por !p2, p0  }
0x20: {  	[sflag:s8] =	ssyncset.s32 @!p0 $0xFFFFF086;
	s6 =	sadd.s32 @!p0 s3, s7;
	s7 =	simm.s32 @!p0 $0x108  }
0x21: {  	s3 =	sadd.s32 s3, s9;
	s6 =	sadd.s32 @!p0 $0x88, s6;
	s7 =	simm.s32 @p2 $0x1082  }
0x22: {  	[simem:s7], [sflag:s8] =	dma.local @!p0 [hbm:s6], $0xF7A  }
0x23: {  	s9 =	sor.u32 $0xD0000000, s2;
	s6 =	simm.s32 $0x108;
	_ =	swait.ge @!p0 [sflag:s8], $0x0  }
0x24: {  	s3 =	sadd.s32 $0x88, s3;
	s6 =	simm.s32 @!p1 $0x1082;
	[sflag:s4] =	ssyncset.s32 $0xFFFFF086  }
0x25: {  	[simem:s6], [sflag:s4] =	dma.local [hbm:s3], $0xF7A  }
0x26: {  	[smem:$0x3F9E] =	sst s1;
	(tag) =	ssettag s2;
	_ =	strace s9  }
0x27: {  	s1 =	sld [smem:$0x3FAE]  }
0x28: {  	s2 =	sld [smem:$0x3FAF]  }
0x29: {  	s4 =	sld [smem:$0x3FB1]  }
0x2a: {  	p0 =	seq.s32 s5, $0x0;
	s5 =	sld [smem:$0x3FB2]  }
0x2b: {  	s6 =	sld [smem:$0x3FB3]  }
0x2c: {  	s7 =	sld [smem:$0x3FB4]  }
0x2d: {  	s3 =	simm.s32 $0x108;
	s8 =	sld [smem:$0x3FB5]  }
0x2e: {  	s3 =	simm.s32 @!p0 $0x1082;
	s9 =	sld [smem:$0x3FB6]  }
0x2f: {  	lr =	sadd.s32 s0, s3;
	s0 =	sld [smem:$0x3FAD]  }
0x30: {  	s3 =	sld [smem:$0x3FB0]  }
0x31: {  	[smem:$0x3FB9] =	sst s10  }
0x32: {  	s10 =	sld [smem:$0x3FB7];
	_ =	sdelay $0x3  }
0x33: {  	p0 =	seq.s32 s10, $0x1;
	s10 =	sld [smem:$0x3FB9];
	_ =	sdelay $0x3  }
0x34: {  	[smem:$0x3FB9] =	sst s10  }
0x35: {  	s10 =	sld [smem:$0x3FB8];
	_ =	sdelay $0x3  }
0x36: {  	p1 =	seq.s32 s10, $0x1;
	s10 =	sld [smem:$0x3FB9];
	_ =	sdelay $0x3  }
0x37: {  	[smem:$0x3FB9] =	sst s10  }
0x38: {  	s10 =	sld [smem:$0x3FBA]  }
0x39: {  	_ = 	snop;
	(pc) =	sbr.ind lr, $3  }
0x3a: {  	_ = 	snop  }
0x3b: {  	_ = 	snop  }
0x3c: {  	p2 =	seq.s32 s10, $0x1;
	s10 =	sld [smem:$0x3FB9]  }
0x3d: {  	_ =	shalt  }
0x3e: {  	_ =	shalt  }
0x3f: {  	_ =	shalt  }
0x40: {  	_ =	shalt  }
0x41: {  	_ =	shalt  }
0x42: {  	_ =	shalt  }
0x43: {  	_ =	shalt  }
0x44: {  	_ =	shalt  }
0x45: {  	_ =	shalt  }
0x46: {  	_ =	shalt  }
0x47: {  	_ =	shalt  }
0x48: {  	_ =	shalt  }
0x49: {  	_ =	shalt  }
0x4a: {  	_ =	shalt  }
0x4b: {  	_ =	shalt  }
0x4c: {  	_ =	shalt  }
0x4d: {  	_ =	shalt  }
0x4e: {  	_ =	shalt  }
0x4f: {  	_ =	shalt  }
0x50: {  	_ =	shalt  }
0x51: {  	_ =	shalt  }
0x52: {  	_ =	shalt  }
0x53: {  	_ =	shalt  }
0x54: {  	_ =	shalt  }
0x55: {  	_ =	shalt  }
0x56: {  	_ =	shalt  }
0x57: {  	_ =	shalt  }
0x58: {  	_ =	shalt  }
0x59: {  	_ =	shalt  }
0x5a: {  	_ =	shalt  }
0x5b: {  	_ =	shalt  }
0x5c: {  	_ =	shalt  }
0x5d: {  	_ =	shalt  }
0x5e: {  	_ =	shalt  }
0x5f: {  	_ =	shalt  }
0x60: {  	_ =	shalt  }
0x61: {  	_ =	shalt  }
0x62: {  	_ =	shalt  }
0x63: {  	_ =	shalt  }
0x64: {  	_ =	shalt  }
0x65: {  	_ =	shalt  }
0x66: {  	_ =	shalt  }
0x67: {  	_ =	shalt  }
0x68: {  	_ =	shalt  }
0x69: {  	_ =	shalt  }
0x6a: {  	_ =	shalt  }
0x6b: {  	_ =	shalt  }
0x6c: {  	_ =	shalt  }
0x6d: {  	_ =	shalt  }
0x6e: {  	_ =	shalt  }
0x6f: {  	_ =	shalt  }
0x70: {  	_ =	shalt  }
0x71: {  	_ =	shalt  }
0x72: {  	_ =	shalt  }
0x73: {  	_ =	shalt  }
0x74: {  	_ =	shalt  }
0x75: {  	_ =	shalt  }
0x76: {  	_ =	shalt  }
0x77: {  	_ =	shalt  }
0x78: {  	_ =	shalt  }
0x79: {  	_ =	shalt  }
0x7a: {  	_ =	shalt  }
0x7b: {  	_ =	shalt  }
0x7c: {  	_ =	shalt  }
0x7d: {  	_ =	shalt  }
0x7e: {  	_ =	shalt  }
0x7f: {  	_ =	shalt  }
0x80: {  	_ =	shalt  }
0x81: {  	_ =	shalt  }
0x82: {  	_ =	shalt  }
0x83: {  	_ =	shalt  }
0x84: {  	_ =	shalt  }
0x85: {  	_ =	shalt  }
0x86: {  	_ =	shalt  }
0x87: {  	_ =	shalt  }
.Lfunc_end0:
.L_simem_size_0:
called_computation_lowered:
.L_overlay_start_0:
0x88: {  	s2 =	sld [smem:$0x3FD9]  }
0x89: {  	s3 =	sld [smem:$0x3FFE];
	_ =	sdelay $0x1  }
0x8a: {  	s1 =	srdreg.scid  }
0x8b: {  	s0 =	sand.u32 $0x1, s1  }
0x8c: {  	s17 =	sshll.u32 s0, $0xA;
	s2 =	sadd.s32 s3, s2  }
0x8d: {  	s2 =	sadd.s32 s2, s17  }
0x8e: {  	[smem:$0x3FC5] =	sst s2  }
0x8f: {  	_ = 	snop  }
0x90: {  	s2 =	sld [smem:$0x3FC7]  }
0x91: {  	s18 =	sld [smem:$0x3FD0];
	(tm) =	ssettm $0x1  }
0x92: {  	s4 =	sld [smem:$0x3FFB];
	_ =	sdelay $0x3  }
0x93: {  	_ =	strace s4  }
0x94: {  	s4 =	sld [smem:$0x3FFC];
	_ =	sdelay $0x3  }
0x95: {  	_ =	strace s4  }
0x96: {  	s4 =	sld [smem:$0x3FFD];
	_ =	sdelay $0x3  }
0x97: {  	_ =	strace s4  }
0x98: {  	_ =	strace $0x8FFFFFFF  }
0x99: {  	s19 =	sld [smem:$0x3FDB];
	_ =	sdelay $0x1  }
0x9a: {  	s5 =	simm.s32 $_scs_section_size  }
0x9b: {  	s6 =	simm.s32 $_size__tile_overlayer_lowered;
	s7 =	simm.s32 $_tile_overlayer_lowered  }
0x9c: {  	s22 =	simm.s32 $0x1BFF;
	s21 =	sshll.u32 s7, $0x1;
	s4 =	sadd.s32 s5, s19  }
0x9d: {  	s8 =	simm.s32 $0x0;
	s20 =	sshll.u32 s6, $0x1;
	s6 =	sadd.s32 s21, s4  }
0x9e: {  	[timem:s8], [sflag:s22] =	dma.local [hbm:s6], s20  }
0x9f: {  	_ =	swait.ge [sflag:s22], s20  }
0xa0: {  	s5 =	ssub.s32 $0x0, s20;
	[sflag:s22] =	ssyncset.done $0x0  }
0xa1: {  	[sflag:s22] =	ssyncadd.s32 s5;
	_ =	sdelay $0x1  }
0xa2: {  	s23 =	simm.s32 $0x1B8B  }
0xa3: {  	_ =	swait.ge [sflag:s23], $0x1  }
0xa4: {  	[sflag:s23] =	ssyncset.done $0x0  }
0xa5: {  	s25 =	simm.s32 $0x1B8E;
	s24 =	sld [smem:$0x3FFE];
	[sflag:s23] =	ssyncadd.s32 $0xFFFFFFFF  }
0xa6: {  	s26 =	simm.s32 $execute0_lowered;
	[smem:$0x3FD2] =	sst s25  }
0xa7: {  	s6 =	sshll.u32 s26, $0x1;
	_ =	strace $0x80000046;
	[dreg:$0x1] =	wrdreg $0xFFFFFFFF  }
0xa8: {  	s28 =	simm.s32 $_size_execute0_lowered;
	s4 =	sadd.s32 s4, s6;
	[dreg:$0x0] =	wrdreg $0x0  }
0xa9: {  	s6 =	sshll.u32 s28, $0x1;
	[dreg:$0x2] =	wrdreg s4  }
0xaa: {  	[dreg:$0x3] =	wrdreg s6  }
0xab: {  	[dreg:$0x4] =	wrdreg $0xC0  }
0xac: {  	_ =	task [dreg:s8], $0x5FFFF  }
0xad: {  	[dreg:$0x1] =	wrdreg $0xFFFFFFFF  }
0xae: {  	[dreg:$0x0] =	wrdreg $0x60  }
0xaf: {  	[dreg:$0x2] =	wrdreg s2  }
0xb0: {  	[dreg:$0x3] =	wrdreg s24  }
0xb1: {  	[dreg:$0x4] =	wrdreg s18  }
0xb2: {  	[dreg:$0x5] =	wrdreg $0x9  }
0xb3: {  	_ =	task.clear_ibuf [dreg:s8], $0x6FFFF;
	_ =	strace $0x90000046  }
0xb4: {  	s29 =	simm.s32 $0x9;
	_ =	strace $0x80000048  }
0xb5: {  	_ =	swait.ge [sflag:s29], $0x1  }
0xb6: {  	[sflag:s29] =	ssyncadd.s32 $0xFFFFFFFF  }
0xb7: {  	_ =	strace $0x90000048  }
0xb8: {  	_ =	sfence  }
0xb9: {  	s30 =	sld [smem:$0x0];
	_ =	sdelay $0x2  }
0xba: {  	s31 =	sshll.u32 s1, $0xD;
	s1 =	sshrl.u32 s1, $0x2  }
0xbb: {  	s3 =	sand.u32 $0x4000, s31;
	s1 =	sadd.s32 s1, s30  }
0xbc: {  	s0 =	sor.u32 s3, s0;
	s1 =	sshll.u32 s1, $0x11  }
0xbd: {  	s0 =	sor.u32 s1, s0  }
0xbe: {  	s0 =	sadd.s32 $0x8F2B, s0  }
0xbf: {  	[sflag:s0] =	ssyncadd.remote.s32 $0x1  }
0xc0: {  	_ =	sfence.sel $0xFFFF  }
0xc1: {  	[dreg:$0x0] =	wrdreg $0xFFFFFFFF;
	(pc) =	sbr.abs _section_cstart, $3  }
0xc2: {  	[dreg:$0x1] =	wrdreg $0xFFFFFFFF  }
0xc3: {  	_ =	task.clear_ibuf [dreg:s8], $0x2FFFF;
	_ =	strace $0x9FFFFFFF  }
0xc4: {  	(tm) =	ssettm $0x7FFFFFFF  }
0xc5: {  	_ =	shalt  }
tec
execute0_lowered:
.L_overlay_start_1:
0x0: {  	(tag) =	ssettag $0x1  }
0x1: {  	s0 =	srdreg.scid;
	s1 =	rddreg [dreg:$0x0]  }
0x2: {  	s5 =	stileid.u32;
	s4 =	rddreg [dreg:$0x1]  }
0x3: {  	s7 =	rddreg [dreg:$0x2];
	s3 =	simm.s32 $0x0;
	s29 =	simm.s32 $0xB100  }
0x4: {  	s30 =	simm.s32 $0xB900;
	s31 =	simm.s32 $0xC100;
	s9 =	simm.s32 $0xD900  }
0x5: {  	s10 =	simm.s32 $0xE100;
	s11 =	simm.s32 $0xE900;
	s12 =	simm.s32 $0xF100  }
0x6: {  	s13 =	simm.s32 $0xF900;
	s14 =	simm.s32 $0x10100;
	s15 =	simm.s32 $0x10900  }
0x7: {  	s16 =	simm.s32 $0x11100;
	s17 =	simm.s32 $0x5;
	s18 =	simm.s32 $0x6  }
0x8: {  	s0 =	sand.u32 $0x1, s0;
	s2 =	sshll.u32 s5, $0x1;
	s5 =	smul.u32 $0x640000, s5  }
0x9: {  	s2 =	sor.u32 s0, s2;
	s6 =	ssub.s32 $0x2, s0;
	s0 =	smul.u32 $0x320000, s0  }
0xa: {  	s19 =	simm.s32 $0x4;
	s20 =	simm.s32 $0x0;
	s2 =	smul.u32 $0x320, s2  }
.Ltmp0:
0xb: {  	[smem:$0x7FF] =	sst s3;
	s8 =	sshrl.u32 s6, $0x1;
	(pc) =	sbr.rel .LBB2_1-.Ltmp0, $4  }
0xc: {  	_ =	strace $0x80000047;
	s6 =	ssub.s32 s6, s8;
	s0 =	sadd.s32 s0, s5  }
0xd: {  	v2 =	vlaneseq.u32;
	s5 =	sadd.s32 $0x100, s1;
	s8 =	simm.s32 $0x7;
	s2 =	sadd.s32 s2, s4  }
0xe: {  	vm0 =	vmmov $0xffff;
	v1 =	vshrl.u32 v2, $0x3;
	s0 =	sshrl.u32 s0, $0x3;
	s6 =	smax.u32 s6, $0x1;
	s4 =	sadd.s32 $0x400, s2  }
0xf: {  	v0 =	vand.u32 $0x7, v2;
	v2 =	vor.u32 $0x8, v2;
	v1 =	vmul.u32 $0x8, v1;
	s22 =	sadd.s32 s0, s7;
	s2 =	simm.s32 $0xC900;
	s0 =	simm.s32 $0xD100  }
.LBB2_7:
0x10: {  	_ =	swait.ge [sflag:s17], $0x8000  }
0x11: {  	[sflag:s17] =	ssyncset.done $0x0  }
0x12: {  	s20 =	sadd.s32 $0x1, s20;
	[sflag:s17] =	ssyncadd.s32 $0xFFFF8000  }
0x13: {  	p0 =	sne.s32 s20, s6;
	_ =	swait.ge [sflag:s18], $0x8000  }
.Ltmp1:
0x14: {  	[sflag:s18] =	ssyncset.done $0x0;
	(pc) =	sbr.rel @!p0 .LBB2_8-.Ltmp1, $4  }
0x15: {  	[sflag:s18] =	ssyncadd.s32 $0xFFFF8000  }
0x16: {  	_ =	swait.ge [sflag:s19], $0x8000  }
0x17: {  	[sflag:s19] =	ssyncset.done $0x0  }
0x18: {  	[sflag:s19] =	ssyncadd.s32 $0xFFFF8000  }
.LBB2_1:
0x19: {  	[tilespmem:s3], [sflag:$0x7] =	stream.linear.gather [hbm4b:s4+s3], $0x1900, $0x38;
	[tilespmem:$0x19900] =	vst v63  }
0x1a: {  	_ =	swait.ge [sflag:s8], $0x1900  }
0x1b: {  	[sflag:s8] =	ssyncset.done $0x0  }
0x1c: {  	[sflag:s8] =	ssyncadd.s32 $0xFFFFE700  }
0x1d: {  	v3 =	vld [tilespmem:$0x0];
	_ =	sdelay $0x4  }
0x1e: {  	v4 =	vshll.u32 v3, $0x2  }
0x1f: {  	v3 =	vand.u32 $0x7, v3;
	v4 =	vand.u32 $0xFFFFFFE0, v4  }
0x20: {  	v3 =	vor.u32 v3, v4  }
0x21: {  	v4 =	vperm.xlane v3, v0;
	_ =	sdelay $0x1  }
0x22: {  	v4 =	vadd.s32 v1, v4;
	_ =	sdelay $0x1  }
0x23: {  	v3 =	vperm.xlane v3, v2;
	_ =	sdelay $0x1  }
0x24: {  	s7 =	simm.s32 $0x1900;
	v3 =	vadd.s32 v1, v3  }
0x25: {  	[tilespmem:s7], [sflag:$0x1] =	stream.indirect_vreg.gather [hbm4b:s1+s3], $0x80, v4, vm0, $0xb8;
	[tilespmem:$0x19900] =	vst v63  }
0x26: {  	s21 =	simm.s32 $0x2100  }
0x27: {  	[tilespmem:s21], [sflag:$0x1] =	stream.indirect_vreg.gather [hbm4b:s5+s3], $0x80, v4, vm0, $0xb8;
	[tilespmem:$0x19900] =	vst v63  }
0x28: {  	s23 =	simm.s32 $0x2900  }
0x29: {  	[tilespmem:s23], [sflag:$0x1] =	stream.indirect_vreg.gather [hbm4b:s1+s3], $0x80, v3, vm0, $0xb8;
	[tilespmem:$0x19900] =	vst v63  }
0x2a: {  	s24 =	simm.s32 $0x3100  }
0x2b: {  	[tilespmem:s24], [sflag:$0x1] =	stream.indirect_vreg.gather [hbm4b:s5+s3], $0x80, v3, vm0, $0xb8;
	[tilespmem:$0x19900] =	vst v63  }
0x2c: {  	v3 =	vld [tilespmem:$0x10];
	_ =	sdelay $0x4  }
0x2d: {  	v57 =	vshll.u32 v3, $0x2  }
0x2e: {  	v3 =	vand.u32 $0x7, v3;
	v4 =	vand.u32 $0xFFFFFFE0, v57  }
0x2f: {  	v3 =	vor.u32 v3, v4  }
0x30: {  	v4 =	vperm.xlane v3, v0;
	_ =	sdelay $0x1  }
0x31: {  	v4 =	vadd.s32 v1, v4;
	_ =	sdelay $0x1  }
0x32: {  	v3 =	vperm.xlane v3, v2;
	_ =	sdelay $0x1  }
0x33: {  	s25 =	simm.s32 $0x3900;
	v3 =	vadd.s32 v1, v3  }
0x34: {  	[tilespmem:s25], [sflag:$0x1] =	stream.indirect_vreg.gather [hbm4b:s1+s3], $0x80, v4, vm0, $0xb8;
	[tilespmem:$0x19900] =	vst v63  }
0x35: {  	s26 =	simm.s32 $0x4100  }
0x36: {  	[tilespmem:s26], [sflag:$0x1] =	stream.indirect_vreg.gather [hbm4b:s5+s3], $0x80, v4, vm0, $0xb8;
	[tilespmem:$0x19900] =	vst v63  }
0x37: {  	s28 =	simm.s32 $0x4900  }
0x38: {  	[tilespmem:s28], [sflag:$0x1] =	stream.indirect_vreg.gather [hbm4b:s1+s3], $0x80, v3, vm0, $0xb8;
	[tilespmem:$0x19900] =	vst v63  }
0x39: {  	s21 =	simm.s32 $0x5100  }
0x3a: {  	[tilespmem:s21], [sflag:$0x1] =	stream.indirect_vreg.gather [hbm4b:s5+s3], $0x80, v3, vm0, $0xb8;
	[tilespmem:$0x19900] =	vst v63  }
0x3b: {  	v3 =	vld [tilespmem:$0x20];
	_ =	sdelay $0x4  }
0x3c: {  	v58 =	vshll.u32 v3, $0x2  }
0x3d: {  	v3 =	vand.u32 $0x7, v3;
	v4 =	vand.u32 $0xFFFFFFE0, v58  }
0x3e: {  	v3 =	vor.u32 v3, v4  }
0x3f: {  	v4 =	vperm.xlane v3, v0;
	_ =	sdelay $0x1  }
0x40: {  	v4 =	vadd.s32 v1, v4;
	_ =	sdelay $0x1  }
0x41: {  	v3 =	vperm.xlane v3, v2;
	_ =	sdelay $0x1  }
0x42: {  	s23 =	simm.s32 $0x5900;
	v3 =	vadd.s32 v1, v3  }
0x43: {  	[tilespmem:s23], [sflag:$0x1] =	stream.indirect_vreg.gather [hbm4b:s1+s3], $0x80, v4, vm0, $0xb8;
	[tilespmem:$0x19900] =	vst v63  }
0x44: {  	s24 =	simm.s32 $0x6100  }
0x45: {  	[tilespmem:s24], [sflag:$0x1] =	stream.indirect_vreg.gather [hbm4b:s5+s3], $0x80, v4, vm0, $0xb8;
	[tilespmem:$0x19900] =	vst v63  }
0x46: {  	s25 =	simm.s32 $0x6900  }
0x47: {  	[tilespmem:s25], [sflag:$0x1] =	stream.indirect_vreg.gather [hbm4b:s1+s3], $0x80, v3, vm0, $0xb8;
	[tilespmem:$0x19900] =	vst v63  }
0x48: {  	s26 =	simm.s32 $0x7100  }
0x49: {  	[tilespmem:s26], [sflag:$0x1] =	stream.indirect_vreg.gather [hbm4b:s5+s3], $0x80, v3, vm0, $0xb8;
	[tilespmem:$0x19900] =	vst v63  }
0x4a: {  	v3 =	vld [tilespmem:$0x30];
	_ =	sdelay $0x4  }
0x4b: {  	v59 =	vshll.u32 v3, $0x2  }
0x4c: {  	v3 =	vand.u32 $0x7, v3;
	v4 =	vand.u32 $0xFFFFFFE0, v59  }
0x4d: {  	v3 =	vor.u32 v3, v4  }
0x4e: {  	v4 =	vperm.xlane v3, v0;
	_ =	sdelay $0x1  }
0x4f: {  	v4 =	vadd.s32 v1, v4;
	_ =	sdelay $0x1  }
0x50: {  	v3 =	vperm.xlane v3, v2;
	_ =	sdelay $0x1  }
0x51: {  	s28 =	simm.s32 $0x7900;
	v3 =	vadd.s32 v1, v3  }
0x52: {  	[tilespmem:s28], [sflag:$0x1] =	stream.indirect_vreg.gather [hbm4b:s1+s3], $0x80, v4, vm0, $0xb8;
	[tilespmem:$0x19900] =	vst v63  }
0x53: {  	s21 =	simm.s32 $0x8100  }
0x54: {  	[tilespmem:s21], [sflag:$0x1] =	stream.indirect_vreg.gather [hbm4b:s5+s3], $0x80, v4, vm0, $0xb8;
	[tilespmem:$0x19900] =	vst v63  }
0x55: {  	s23 =	simm.s32 $0x8900  }
0x56: {  	[tilespmem:s23], [sflag:$0x1] =	stream.indirect_vreg.gather [hbm4b:s1+s3], $0x80, v3, vm0, $0xb8;
	[tilespmem:$0x19900] =	vst v63  }
0x57: {  	s24 =	simm.s32 $0x9100  }
0x58: {  	[tilespmem:s24], [sflag:$0x1] =	stream.indirect_vreg.gather [hbm4b:s5+s3], $0x80, v3, vm0, $0xb8;
	[tilespmem:$0x19900] =	vst v63  }
0x59: {  	v3 =	vld [tilespmem:$0x40];
	_ =	sdelay $0x4  }
0x5a: {  	v60 =	vshll.u32 v3, $0x2  }
0x5b: {  	v3 =	vand.u32 $0x7, v3;
	v4 =	vand.u32 $0xFFFFFFE0, v60  }
0x5c: {  	v3 =	vor.u32 v3, v4  }
0x5d: {  	v4 =	vperm.xlane v3, v0;
	_ =	sdelay $0x1  }
0x5e: {  	v4 =	vadd.s32 v1, v4;
	_ =	sdelay $0x1  }
0x5f: {  	v3 =	vperm.xlane v3, v2;
	_ =	sdelay $0x1  }
0x60: {  	s25 =	simm.s32 $0x9900;
	v3 =	vadd.s32 v1, v3  }
0x61: {  	[tilespmem:s25], [sflag:$0x2] =	stream.indirect_vreg.gather [hbm4b:s1+s3], $0x80, v4, vm0, $0xb8;
	[tilespmem:$0x19900] =	vst v63  }
0x62: {  	s26 =	simm.s32 $0xA100  }
0x63: {  	[tilespmem:s26], [sflag:$0x2] =	stream.indirect_vreg.gather [hbm4b:s5+s3], $0x80, v4, vm0, $0xb8;
	[tilespmem:$0x19900] =	vst v63  }
0x64: {  	s28 =	simm.s32 $0xA900  }
0x65: {  	[tilespmem:s28], [sflag:$0x2] =	stream.indirect_vreg.gather [hbm4b:s1+s3], $0x80, v3, vm0, $0xb8;
	[tilespmem:$0x19900] =	vst v63  }
0x66: {  	_ = 	snop  }
0x67: {  	[tilespmem:s29], [sflag:$0x2] =	stream.indirect_vreg.gather [hbm4b:s5+s3], $0x80, v3, vm0, $0xb8;
	[tilespmem:$0x19900] =	vst v63  }
0x68: {  	v3 =	vld [tilespmem:$0x50];
	_ =	sdelay $0x4  }
0x69: {  	v61 =	vshll.u32 v3, $0x2  }
0x6a: {  	v3 =	vand.u32 $0x7, v3;
	v4 =	vand.u32 $0xFFFFFFE0, v61  }
0x6b: {  	v3 =	vor.u32 v3, v4  }
0x6c: {  	v4 =	vperm.xlane v3, v0;
	_ =	sdelay $0x1  }
0x6d: {  	v4 =	vadd.s32 v1, v4;
	_ =	sdelay $0x1  }
0x6e: {  	v3 =	vperm.xlane v3, v2;
	_ =	sdelay $0x1  }
0x6f: {  	v3 =	vadd.s32 v1, v3  }
0x70: {  	[tilespmem:s30], [sflag:$0x2] =	stream.indirect_vreg.gather [hbm4b:s1+s3], $0x80, v4, vm0, $0xb8;
	[tilespmem:$0x19900] =	vst v63  }
0x71: {  	_ = 	snop  }
0x72: {  	[tilespmem:s31], [sflag:$0x2] =	stream.indirect_vreg.gather [hbm4b:s5+s3], $0x80, v4, vm0, $0xb8;
	[tilespmem:$0x19900] =	vst v63  }
0x73: {  	_ = 	snop  }
0x74: {  	[tilespmem:s2], [sflag:$0x2] =	stream.indirect_vreg.gather [hbm4b:s1+s3], $0x80, v3, vm0, $0xb8;
	[tilespmem:$0x19900] =	vst v63  }
0x75: {  	_ = 	snop  }
0x76: {  	[tilespmem:s0], [sflag:$0x2] =	stream.indirect_vreg.gather [hbm4b:s5+s3], $0x80, v3, vm0, $0xb8;
	[tilespmem:$0x19900] =	vst v63  }
0x77: {  	v3 =	vld [tilespmem:$0x60];
	_ =	sdelay $0x4  }
0x78: {  	v62 =	vshll.u32 v3, $0x2  }
0x79: {  	v3 =	vand.u32 $0x7, v3;
	v4 =	vand.u32 $0xFFFFFFE0, v62  }
0x7a: {  	v3 =	vor.u32 v3, v4  }
0x7b: {  	v4 =	vperm.xlane v3, v0;
	_ =	sdelay $0x1  }
0x7c: {  	v4 =	vadd.s32 v1, v4;
	_ =	sdelay $0x1  }
0x7d: {  	v3 =	vperm.xlane v3, v2;
	_ =	sdelay $0x1  }
0x7e: {  	v3 =	vadd.s32 v1, v3  }
0x7f: {  	[tilespmem:s9], [sflag:$0x2] =	stream.indirect_vreg.gather [hbm4b:s1+s3], $0x80, v4, vm0, $0xb8;
	[tilespmem:$0x19900] =	vst v63  }
0x80: {  	_ = 	snop  }
0x81: {  	[tilespmem:s10], [sflag:$0x2] =	stream.indirect_vreg.gather [hbm4b:s5+s3], $0x80, v4, vm0, $0xb8;
	[tilespmem:$0x19900] =	vst v63  }
0x82: {  	_ = 	snop  }
0x83: {  	[tilespmem:s11], [sflag:$0x2] =	stream.indirect_vreg.gather [hbm4b:s1+s3], $0x80, v3, vm0, $0xb8;
	[tilespmem:$0x19900] =	vst v63  }
0x84: {  	_ = 	snop  }
0x85: {  	[tilespmem:s12], [sflag:$0x2] =	stream.indirect_vreg.gather [hbm4b:s5+s3], $0x80, v3, vm0, $0xb8;
	[tilespmem:$0x19900] =	vst v63  }
0x86: {  	v3 =	vld [tilespmem:$0x70];
	_ =	sdelay $0x4  }
0x87: {  	v63 =	vshll.u32 v3, $0x2  }
0x88: {  	v3 =	vand.u32 $0x7, v3;
	v4 =	vand.u32 $0xFFFFFFE0, v63  }
0x89: {  	v3 =	vor.u32 v3, v4  }
0x8a: {  	v4 =	vperm.xlane v3, v0;
	_ =	sdelay $0x1  }
0x8b: {  	v4 =	vadd.s32 v1, v4;
	_ =	sdelay $0x2  }
0x8c: {  	v3 =	vperm.xlane v3, v2;
	_ =	sdelay $0x1  }
0x8d: {  	v3 =	vadd.s32 v1, v3;
	[tilespmem:s13], [sflag:$0x2] =	stream.indirect_vreg.gather [hbm4b:s1+s3], $0x80, v4, vm0, $0xb8;
	[tilespmem:$0x19900] =	vst v63  }
0x8e: {  	_ = 	snop  }
0x8f: {  	[tilespmem:s14], [sflag:$0x2] =	stream.indirect_vreg.gather [hbm4b:s5+s3], $0x80, v4, vm0, $0xb8;
	[tilespmem:$0x19900] =	vst v63  }
.Ltmp2:
0x90: {  	_ = 	snop;
	(pc) =	sbr.rel .LBB2_2-.Ltmp2, $4  }
0x91: {  	_ = 	snop  }
0x92: {  	[tilespmem:s15], [sflag:$0x2] =	stream.indirect_vreg.gather [hbm4b:s1+s3], $0x80, v3, vm0, $0xb8;
	[tilespmem:$0x19900] =	vst v63  }
0x93: {  	s7 =	smov.u32 s22;
	s21 =	simm.s32 $0xB0;
	s23 =	simm.s32 $0xFFFFFFFF  }
0x94: {  	[tilespmem:s16], [sflag:$0x2] =	stream.indirect_vreg.gather [hbm4b:s5+s3], $0x80, v3, vm0, $0xb8;
	[tilespmem:$0x19900] =	vst v63  }
.LBB2_3:
0x95: {  	s25 =	sadd.s32 $0x4, s24  }
0x96: {  	_ =	swait.ge [sflag:s25], $0x8000  }
0x97: {  	[sflag:s25] =	ssyncset.done $0x0  }
0x98: {  	[sflag:s25] =	ssyncadd.s32 $0xFFFF8000  }
.LBB2_5:
0x99: {  	v3 =	vld [tilespmem:s21+$0xFFFFFFD0];
	_ =	sdelay $0x4  }
0x9a: {  	v4 =	vshll.u32 v3, $0x2  }
0x9b: {  	v3 =	vand.u32 $0x7, v3;
	v4 =	vand.u32 $0xFFFFFFE0, v4  }
0x9c: {  	v3 =	vor.u32 v3, v4  }
0x9d: {  	v4 =	vperm.xlane v3, v0;
	_ =	sdelay $0x1  }
0x9e: {  	v4 =	vadd.s32 v1, v4;
	_ =	sdelay $0x1  }
0x9f: {  	v3 =	vperm.xlane v3, v2  }
0xa0: {  	s25 =	sshll.u32 s24, $0xF  }
0xa1: {  	s24 =	sadd.s32 $0x1, s24;
	s26 =	sor.u32 $0x1900, s25;
	v3 =	vadd.s32 v1, v3  }
0xa2: {  	[tilespmem:s26], [sflag:s24] =	stream.indirect_vreg.gather [hbm4b:s1+s3], $0x80, v4, vm0, $0xb8;
	[tilespmem:$0x19900] =	vst v63  }
0xa3: {  	s28 =	sor.u32 $0x2100, s25  }
0xa4: {  	[tilespmem:s28], [sflag:s24] =	stream.indirect_vreg.gather [hbm4b:s5+s3], $0x80, v4, vm0, $0xb8;
	[tilespmem:$0x19900] =	vst v63  }
0xa5: {  	s28 =	sor.u32 $0x2900, s25  }
0xa6: {  	[tilespmem:s28], [sflag:s24] =	stream.indirect_vreg.gather [hbm4b:s1+s3], $0x80, v3, vm0, $0xb8;
	[tilespmem:$0x19900] =	vst v63  }
0xa7: {  	s28 =	sor.u32 $0x3100, s25  }
0xa8: {  	[tilespmem:s28], [sflag:s24] =	stream.indirect_vreg.gather [hbm4b:s5+s3], $0x80, v3, vm0, $0xb8;
	[tilespmem:$0x19900] =	vst v63  }
0xa9: {  	v3 =	vld [tilespmem:s21+$0xFFFFFFE0];
	_ =	sdelay $0x4  }
0xaa: {  	v61 =	vshll.u32 v3, $0x2  }
0xab: {  	v3 =	vand.u32 $0x7, v3;
	v4 =	vand.u32 $0xFFFFFFE0, v61  }
0xac: {  	v3 =	vor.u32 v3, v4  }
0xad: {  	v4 =	vperm.xlane v3, v0;
	_ =	sdelay $0x1  }
0xae: {  	v4 =	vadd.s32 v1, v4;
	_ =	sdelay $0x1  }
0xaf: {  	v3 =	vperm.xlane v3, v2;
	_ =	sdelay $0x1  }
0xb0: {  	s28 =	sor.u32 $0x3900, s25;
	v3 =	vadd.s32 v1, v3  }
0xb1: {  	[tilespmem:s28], [sflag:s24] =	stream.indirect_vreg.gather [hbm4b:s1+s3], $0x80, v4, vm0, $0xb8;
	[tilespmem:$0x19900] =	vst v63  }
0xb2: {  	s28 =	sor.u32 $0x4100, s25  }
0xb3: {  	[tilespmem:s28], [sflag:s24] =	stream.indirect_vreg.gather [hbm4b:s5+s3], $0x80, v4, vm0, $0xb8;
	[tilespmem:$0x19900] =	vst v63  }
0xb4: {  	s28 =	sor.u32 $0x4900, s25  }
0xb5: {  	[tilespmem:s28], [sflag:s24] =	stream.indirect_vreg.gather [hbm4b:s1+s3], $0x80, v3, vm0, $0xb8;
	[tilespmem:$0x19900] =	vst v63  }
0xb6: {  	s28 =	sor.u32 $0x5100, s25  }
0xb7: {  	[tilespmem:s28], [sflag:s24] =	stream.indirect_vreg.gather [hbm4b:s5+s3], $0x80, v3, vm0, $0xb8;
	[tilespmem:$0x19900] =	vst v63  }
0xb8: {  	v3 =	vld [tilespmem:s21+$0xFFFFFFF0];
	_ =	sdelay $0x4  }
0xb9: {  	v62 =	vshll.u32 v3, $0x2  }
0xba: {  	v3 =	vand.u32 $0x7, v3;
	v4 =	vand.u32 $0xFFFFFFE0, v62  }
0xbb: {  	v3 =	vor.u32 v3, v4  }
0xbc: {  	v4 =	vperm.xlane v3, v0;
	_ =	sdelay $0x1  }
0xbd: {  	v4 =	vadd.s32 v1, v4;
	_ =	sdelay $0x1  }
0xbe: {  	v3 =	vperm.xlane v3, v2;
	_ =	sdelay $0x1  }
0xbf: {  	s28 =	sor.u32 $0x5900, s25;
	v3 =	vadd.s32 v1, v3  }
0xc0: {  	[tilespmem:s28], [sflag:s24] =	stream.indirect_vreg.gather [hbm4b:s1+s3], $0x80, v4, vm0, $0xb8;
	[tilespmem:$0x19900] =	vst v63  }
0xc1: {  	s28 =	sor.u32 $0x6100, s25  }
0xc2: {  	[tilespmem:s28], [sflag:s24] =	stream.indirect_vreg.gather [hbm4b:s5+s3], $0x80, v4, vm0, $0xb8;
	[tilespmem:$0x19900] =	vst v63  }
0xc3: {  	s28 =	sor.u32 $0x6900, s25  }
0xc4: {  	[tilespmem:s28], [sflag:s24] =	stream.indirect_vreg.gather [hbm4b:s1+s3], $0x80, v3, vm0, $0xb8;
	[tilespmem:$0x19900] =	vst v63  }
0xc5: {  	s28 =	sor.u32 $0x7100, s25  }
0xc6: {  	[tilespmem:s28], [sflag:s24] =	stream.indirect_vreg.gather [hbm4b:s5+s3], $0x80, v3, vm0, $0xb8;
	[tilespmem:$0x19900] =	vst v63  }
0xc7: {  	v3 =	vld [tilespmem:s21+$0x0];
	_ =	sdelay $0x4  }
0xc8: {  	v63 =	vshll.u32 v3, $0x2  }
0xc9: {  	v3 =	vand.u32 $0x7, v3;
	v4 =	vand.u32 $0xFFFFFFE0, v63  }
0xca: {  	v3 =	vor.u32 v3, v4  }
0xcb: {  	v4 =	vperm.xlane v3, v0;
	_ =	sdelay $0x1  }
0xcc: {  	v4 =	vadd.s32 v1, v4;
	_ =	sdelay $0x1  }
0xcd: {  	v3 =	vperm.xlane v3, v2;
	_ =	sdelay $0x1  }
0xce: {  	s28 =	sor.u32 $0x7900, s25;
	v3 =	vadd.s32 v1, v3  }
0xcf: {  	[tilespmem:s28], [sflag:s24] =	stream.indirect_vreg.gather [hbm4b:s1+s3], $0x80, v4, vm0, $0xb8;
	[tilespmem:$0x19900] =	vst v63  }
0xd0: {  	s28 =	sadd.s32 $0x8100, s25  }
0xd1: {  	[tilespmem:s28], [sflag:s24] =	stream.indirect_vreg.gather [hbm4b:s5+s3], $0x80, v4, vm0, $0xb8;
	[tilespmem:$0x19900] =	vst v63  }
0xd2: {  	s28 =	sadd.s32 $0x8900, s25  }
0xd3: {  	[tilespmem:s28], [sflag:s24] =	stream.indirect_vreg.gather [hbm4b:s1+s3], $0x80, v3, vm0, $0xb8;
	[tilespmem:$0x19900] =	vst v63  }
0xd4: {  	s25 =	sadd.s32 $0x9100, s25  }
0xd5: {  	[tilespmem:s25], [sflag:s24] =	stream.indirect_vreg.gather [hbm4b:s5+s3], $0x80, v3, vm0, $0xb8;
	[tilespmem:$0x19900] =	vst v63  }
.LBB2_6:
0xd6: {  	p0 =	sne.s32 s23, $0x63  }
.Ltmp3:
0xd7: {  	_ = 	snop;
	(pc) =	sbr.rel @!p0 .LBB2_7-.Ltmp3, $2  }
0xd8: {  	_ =	sdelay $0x2  }
0xd9: {  	s7 =	sadd.s32 $0x1000, s7;
	s21 =	sadd.s32 $0x40, s21  }
.LBB2_2:
0xda: {  	s25 =	smul.u32 $0xAB, s23;
	_ =	sdelay $0x1  }
0xdb: {  	s24 =	smov.u32 s23;
	s23 =	sadd.s32 $0xAB, s25  }
0xdc: {  	s23 =	sshrl.u32 s23, $0x9  }
0xdd: {  	s23 =	sand.u32 $0x7F, s23  }
0xde: {  	s26 =	smul.u32 $0x3, s23  }
0xdf: {  	s25 =	sadd.s32 $0x201, s25;
	s23 =	sadd.s32 $0x1, s24  }
0xe0: {  	s25 =	sshrl.u32 s25, $0x9;
	s26 =	ssub.s32 s23, s26  }
0xe1: {  	s25 =	sand.u32 $0x7F, s25;
	s26 =	sand.u32 $0xFF, s26  }
0xe2: {  	p0 =	sgt.u32 s24, $0x60;
	s25 =	smul.u32 $0x3, s25;
	s28 =	sadd.s32 $0x1, s26  }
.Ltmp4:
0xe3: {  	_ =	swait.ge [sflag:s28], $0x8000;
	(pc) =	sbr.rel @!p0 .LBB2_3-.Ltmp4, $4  }
0xe4: {  	s25 =	ssub.s32 s24, s25;
	[sflag:s28] =	ssyncset.done $0x0  }
0xe5: {  	s25 =	sadd.s32 $0x3, s25;
	[sflag:s28] =	ssyncadd.s32 $0xFFFF8000;
	s28 =	sshll.u32 s26, $0xF  }
0xe6: {  	s24 =	sand.u32 $0xFF, s25;
	s26 =	sor.u32 $0x4, s26;
	s28 =	sor.u32 $0x1900, s28  }
0xe7: {  	[hbm4b:s7+s3] =	stream.linear.scatter [tilespmem:s28], [sflag:s26], $0x8000, $0x38;
	[tilespmem:$0x19900] =	vst v63  }
0xe8: {  	p0 =	sgt.u32 s23, $0x61  }
.Ltmp5:
0xe9: {  	_ = 	snop;
	(pc) =	sbr.rel @p0 .LBB2_6-.Ltmp5, $4  }
.Ltmp6:
0xea: {  	_ = 	snop;
	(pc) =	sbr.rel @!p0 .LBB2_5-.Ltmp6, $4  }
0xeb: {  	_ = 	snop  }
0xec: {  	_ = 	snop  }
0xed: {  	_ = 	snop  }
0xee: {  	_ = 	snop  }
.LBB2_8:
0xef: {  	_ =	sfence.sel $0x180000  }
0xf0: {  	[bflag:$0x0] =	sbarrier.arrive $0xFFFF  }
0xf1: {  	_ =	strace $0x90000047  }
0xf2: {  	s0 =	stileid.u32;
	[bflag:$0x2] =	sbarrier.arrive $0xFFFF  }
0xf3: {  	p0 =	sne.s32 s0, $0x0;
	s0 =	rddreg [dreg:$0x3]  }
0xf4: {  	s0 =	sadd.s32 @!p0 $0x100000, s0  }
0xf5: {  	[sflag:s0] =	ssyncadd.tile.s32 @!p0 $0x1;
	_ =	shalt  }
.Lfunc_end2:
_tile_overlayer_lowered:
.L_overlay_start_2:
0xf6: {  	(tag) =	ssettag $0x2  }
0xf7: {  	s0 =	rddreg [dreg:$0x0];
	s2 =	stileid.u32  }
0xf8: {  	s1 =	rddreg [dreg:$0x1];
	p0 =	sne.s32 s2, $0x0  }
0xf9: {  	s3 =	rddreg [dreg:$0x2];
	[bflag:$0x3] =	sbarrier.arrive $0xFFFF;
	s2 =	simm.s32 @!p0 $0x1C07  }
0xfa: {  	[timem:s3], [sflag:s2] =	dma.local @!p0 [hbm:s0], s1  }
0xfb: {  	s0 =	simm.s32 @!p0 $0x7  }
0xfc: {  	_ =	swait.ge @!p0 [sflag:s0], s1  }
0xfd: {  	s1 =	ssub.s32 @!p0 $0x0, s1;
	[sflag:s0] =	ssyncset.done @!p0 $0x0  }
0xfe: {  	[sflag:s0] =	ssyncadd.s32 @!p0 s1  }
0xff: {  	[bflag:$0x3] =	sbarrier.arrive $0xFFFF  }
0x100: {  	_ =	shalt  }

</sc_bundles>
